<compile_context>
chip_gen: v7x
topology: tpu7x:2x2x1
jax: 0.10.2.dev20260603
libtpu: 0.0.44.dev20260713+nightly
codegen_flags: <defaults>
</compile_context>

<pallas_src>
import functools

import jax
import jax.numpy as jnp
from jax import lax
from jax.experimental import pallas as pl
from jax.experimental.pallas import tpu as pltpu
from jax.experimental.pallas import tpu_sc as plsc


def _logits_kernel(w_ref, x_ref, out_ref):
    wpb, _, tpw = out_ref.shape
    for w in range(wpb):
        out_ref[w] = lax.dot_general(
            w_ref[...], x_ref[pl.ds(w * tpw, tpw), :],
            dimension_numbers=(((1,), (1,)), ((), ())),
            preferred_element_type=jnp.float32,
        )


def _compute_logits_t(x, W, tpw, block_tokens):
    n_tokens, d_model = x.shape
    n_expert = W.shape[0]
    n_blocks = n_tokens // block_tokens
    wpb = block_tokens // tpw
    return pl.pallas_call(
        _logits_kernel,
        grid=(n_blocks,),
        in_specs=[
            pl.BlockSpec((n_expert, d_model), lambda i: (0, 0)),
            pl.BlockSpec((block_tokens, d_model), lambda i: (i, 0)),
        ],
        out_specs=pl.BlockSpec((wpb, n_expert, tpw), lambda i: (i, 0, 0)),
        out_shape=jax.ShapeDtypeStruct((n_tokens // tpw, n_expert, tpw), jnp.float32),
    )(W, x)


def _make_router(n_tokens, n_expert, nc, nw, tpw, lanes):
    n_chunks = tpw // lanes
    mesh = plsc.VectorSubcoreMesh(core_axis_name="c", subcore_axis_name="s",
                                  num_cores=nc)

    @functools.partial(
        pl.kernel,
        mesh=mesh,
        out_type=[
            jax.ShapeDtypeStruct((n_tokens,), jnp.int32),
            jax.ShapeDtypeStruct((n_tokens,), jnp.float32),
        ],
        scratch_types=[
            pltpu.VMEM((n_expert, tpw), jnp.float32),
            pltpu.VMEM((tpw,), jnp.int32),
            pltpu.VMEM((tpw,), jnp.float32),
        ],
    )
    def router(lgt_hbm, idx_hbm, sc_hbm, lg_v, idx_v, sc_v):
        wid = lax.axis_index("s") * nc + lax.axis_index("c")
        base = wid * tpw
        pltpu.sync_copy(lgt_hbm.at[wid], lg_v)

        def chunk(c, carry):
            t = c * lanes
            best = lg_v[0, pl.ds(t, lanes)]
            bidx = jnp.zeros((lanes,), jnp.int32)
            for e in range(1, n_expert):
                v = lg_v[e, pl.ds(t, lanes)]
                gt = v > best
                best = jnp.where(gt, v, best)
                bidx = jnp.where(gt, jnp.int32(e), bidx)
            idx_v[pl.ds(t, lanes)] = bidx
            sc_v[pl.ds(t, lanes)] = best
            return carry

        lax.fori_loop(0, n_chunks, chunk, 0)

        pltpu.sync_copy(idx_v, idx_hbm.at[pl.ds(base, tpw)])
        pltpu.sync_copy(sc_v, sc_hbm.at[pl.ds(base, tpw)])

    return router


def kernel(x, W):
    n_tokens, _ = x.shape
    n_expert = W.shape[0]
    info = plsc.get_sparse_core_info()
    nc, ns, lanes = 1, info.num_subcores, info.num_lanes
    nw = nc * ns
    tpw = n_tokens // nw
    logits_t = _compute_logits_t(x, W, tpw, block_tokens=4096)
    router = _make_router(n_tokens, n_expert, nc, nw, tpw, lanes)
    idx_flat, sc_flat = router(logits_t)
    scores = sc_flat[:, None]
    mask = jax.nn.one_hot(idx_flat, n_expert, dtype=jnp.float32)
    return idx_flat, scores, mask

# --- scband reference (transcript-rebuilt; emitter-appended) ---
"""Pipeline reference for scband-top1-gate-20478404067792 (READ-ONLY COPY).

The authoritative reference and input builder live on the scoring server;
editing this copy changes nothing except your own understanding.
"""

import jax, jax.numpy as jnp
import numpy as np

D_MODEL = 768
N_EXPERT = 8
N_TOKENS = 32768

def setup_inputs(seed: int = 0) -> dict:
    key = jax.random.key(seed)
    k1, k2 = jax.random.split(key)
    x = jax.random.normal(k1, (N_TOKENS, D_MODEL), dtype=jnp.float32)
    # nn.Linear(d_model, n_expert, bias=False) weight has shape [n_expert, d_model]
    W = jax.random.normal(k2, (N_EXPERT, D_MODEL), dtype=jnp.float32) * (1.0 / np.sqrt(D_MODEL))
    return {"x": x, "W": W}

def reference(x, W):
    # logits = x @ W.T  (torch Linear, no bias)
    logits = jnp.dot(x, W.T)
    # noisy=False (or eval mode): no gaussian noise branch
    idx = jnp.argmax(logits, axis=-1)
    mask = jax.nn.one_hot(idx, logits.shape[-1], dtype=jnp.float32)
    scores = jnp.sum(mask * logits, axis=-1, keepdims=True)
    return (idx, scores, mask)

if __name__ == "__main__":
    import jax
    _d = setup_inputs()
    print(jax.jit(kernel)(*tuple(_d.values())))

</pallas_src>

<mosaic_0001>
#map = affine_map<(d0, d1) -> (0, 0, 0)>
#map1 = affine_map<(d0, d1) -> (0)>
module attributes {stable_mosaic.version = 14 : i64} {
  func.func @router(%arg0: i32, %arg1: i32, %arg2: memref<16x8x2048xf32, #tpu.memory_space<hbm>>, %arg3: memref<32768xi32, #tpu.memory_space<hbm>>, %arg4: memref<32768xf32, #tpu.memory_space<hbm>>, %arg5: memref<8x2048xf32, #tpu.memory_space<vmem>>, %arg6: memref<2048xi32, #tpu.memory_space<vmem>>, %arg7: memref<2048xf32, #tpu.memory_space<vmem>>) attributes {dimension_semantics = [#tpu.dimension_semantics<core_parallel>, #tpu.dimension_semantics<subcore_parallel>], iteration_bounds = array<i64: 1, 16>, scalar_prefetch = 0 : i64, scratch_operands = 3 : i64, tpu.core_type = #tpu.core_type<sc_vector_subcore>, window_params = [{transform_indices = #map}, {transform_indices = #map1}, {transform_indices = #map1}]} {
    %mul3A = arith.constant 1 : i32
    %mul3A_0 = arith.muli %arg1, %mul3A : i32
    %add3A = arith.addi %mul3A_0, %arg0 : i32
    %mul3A_1 = arith.constant 2048 : i32
    %mul3A_2 = arith.muli %add3A, %mul3A_1 : i32
    "tpu.region"() ({
      %run_scoped3A = tpu.sem_alloc : memref<!tpu.dma_semaphore, #tpu.memory_space<semaphore_mem>>
      %dma_start3A = arith.constant 0 : i32
      %dma_start3A_8 = arith.constant 0 : i32
      %dma_start3A_9 = tpu.memref_slice %arg2[%add3A, %dma_start3A, %dma_start3A_8] : memref<16x8x2048xf32, #tpu.memory_space<hbm>> -> memref<1x8x2048xf32, #tpu.memory_space<hbm>>
      %dma_start3A_10 = tpu.memref_squeeze %dma_start3A_9 : memref<1x8x2048xf32, #tpu.memory_space<hbm>> -> memref<8x2048xf32, #tpu.memory_space<hbm>>
      %dma_start3A_11 = arith.constant 0 : i32
      %dma_start3A_12 = arith.constant 0 : i32
      %dma_start3A_13 = tpu.memref_slice %arg2[%add3A, %dma_start3A_11, %dma_start3A_12] : memref<16x8x2048xf32, #tpu.memory_space<hbm>> -> memref<1x8x2048xf32, #tpu.memory_space<hbm>>
      %dma_start3A_14 = tpu.memref_squeeze %dma_start3A_13 : memref<1x8x2048xf32, #tpu.memory_space<hbm>> -> memref<8x2048xf32, #tpu.memory_space<hbm>>
      tpu.enqueue_dma source(%dma_start3A_14 : memref<8x2048xf32, #tpu.memory_space<hbm>>) target(%arg5 : memref<8x2048xf32, #tpu.memory_space<vmem>>) target_semaphore(%run_scoped3A : memref<!tpu.dma_semaphore, #tpu.memory_space<semaphore_mem>>)
      %dma_wait3A = arith.constant 0 : i32
      %dma_wait3A_15 = arith.constant 0 : i32
      %dma_wait3A_16 = tpu.memref_slice %arg2[%add3A, %dma_wait3A, %dma_wait3A_15] : memref<16x8x2048xf32, #tpu.memory_space<hbm>> -> memref<1x8x2048xf32, #tpu.memory_space<hbm>>
      %dma_wait3A_17 = tpu.memref_squeeze %dma_wait3A_16 : memref<1x8x2048xf32, #tpu.memory_space<hbm>> -> memref<8x2048xf32, #tpu.memory_space<hbm>>
      %dma_wait3A_18 = arith.constant 0 : i32
      %dma_wait3A_19 = arith.constant 0 : i32
      %dma_wait3A_20 = tpu.memref_slice %arg2[%add3A, %dma_wait3A_18, %dma_wait3A_19] : memref<16x8x2048xf32, #tpu.memory_space<hbm>> -> memref<1x8x2048xf32, #tpu.memory_space<hbm>>
      %dma_wait3A_21 = tpu.memref_squeeze %dma_wait3A_20 : memref<1x8x2048xf32, #tpu.memory_space<hbm>> -> memref<8x2048xf32, #tpu.memory_space<hbm>>
      tpu.wait_dma2 semaphore(%run_scoped3A : memref<!tpu.dma_semaphore, #tpu.memory_space<semaphore_mem>>) src(%dma_wait3A_21 : memref<8x2048xf32, #tpu.memory_space<hbm>>) dst(%arg5 : memref<8x2048xf32, #tpu.memory_space<vmem>>)
      tpu.yield
    }) : () -> ()
    %scan3A = arith.constant 0 : i32
    %scan3A_3 = arith.constant 0 : i32
    %scan3A_4 = arith.constant 128 : i32
    %scan3A_5 = arith.addi %scan3A_3, %scan3A_4 : i32
    %scan3A_6 = arith.constant 1 : i32
    scf.for %scan3A_8 = %scan3A_3 to %scan3A_5 step %scan3A_6  : i32 {
      %mul3A_9 = arith.constant 16 : i32
      %mul3A_10 = arith.muli %scan3A_8, %mul3A_9 : i32
      %get3A = arith.constant 0 : i32
      %get3A_11 = arith.index_cast %get3A : i32 to index
      %get3A_12 = arith.index_cast %mul3A_10 : i32 to index
      %get3A_13 = tpu.vector_load %arg5[%get3A_11, %get3A_12] {strides = array<i32>} : memref<8x2048xf32, #tpu.memory_space<vmem>>, vector<1x16xf32>,
      %get3A_14 = vector.shape_cast %get3A_13 : vector<1x16xf32> to vector<16xf32>
      %broadcast_in_dim3A = arith.constant 0 : i32
      %broadcast_in_dim3A_15 = vector.broadcast %broadcast_in_dim3A : i32 to vector<16xi32>
      %get3A_16 = arith.constant 1 : i32
      %get3A_17 = arith.index_cast %get3A_16 : i32 to index
      %get3A_18 = arith.index_cast %mul3A_10 : i32 to index
      %get3A_19 = tpu.vector_load %arg5[%get3A_17, %get3A_18] {strides = array<i32>} : memref<8x2048xf32, #tpu.memory_space<vmem>>, vector<1x16xf32>,
      %get3A_20 = vector.shape_cast %get3A_19 : vector<1x16xf32> to vector<16xf32>
      %gt3A = arith.cmpf ogt, %get3A_20, %get3A_14 : vector<16xf32>
      %select_n3A = arith.select %gt3A, %get3A_20, %get3A_14 : vector<16xi1>, vector<16xf32>
      %jit3A = arith.constant 1 : i32
      %broadcast_in_dim3A_21 = vector.broadcast %jit3A : i32 to vector<16xi32>
      %select_n3A_22 = arith.select %gt3A, %broadcast_in_dim3A_21, %broadcast_in_dim3A_15 : vector<16xi1>, vector<16xi32>
      %get3A_23 = arith.constant 2 : i32
      %get3A_24 = arith.index_cast %get3A_23 : i32 to index
      %get3A_25 = arith.index_cast %mul3A_10 : i32 to index
      %get3A_26 = tpu.vector_load %arg5[%get3A_24, %get3A_25] {strides = array<i32>} : memref<8x2048xf32, #tpu.memory_space<vmem>>, vector<1x16xf32>,
      %get3A_27 = vector.shape_cast %get3A_26 : vector<1x16xf32> to vector<16xf32>
      %gt3A_28 = arith.cmpf ogt, %get3A_27, %select_n3A : vector<16xf32>
      %select_n3A_29 = arith.select %gt3A_28, %get3A_27, %select_n3A : vector<16xi1>, vector<16xf32>
      %jit3A_30 = arith.constant 2 : i32
      %broadcast_in_dim3A_31 = vector.broadcast %jit3A_30 : i32 to vector<16xi32>
      %select_n3A_32 = arith.select %gt3A_28, %broadcast_in_dim3A_31, %select_n3A_22 : vector<16xi1>, vector<16xi32>
      %get3A_33 = arith.constant 3 : i32
      %get3A_34 = arith.index_cast %get3A_33 : i32 to index
      %get3A_35 = arith.index_cast %mul3A_10 : i32 to index
      %get3A_36 = tpu.vector_load %arg5[%get3A_34, %get3A_35] {strides = array<i32>} : memref<8x2048xf32, #tpu.memory_space<vmem>>, vector<1x16xf32>,
      %get3A_37 = vector.shape_cast %get3A_36 : vector<1x16xf32> to vector<16xf32>
      %gt3A_38 = arith.cmpf ogt, %get3A_37, %select_n3A_29 : vector<16xf32>
      %select_n3A_39 = arith.select %gt3A_38, %get3A_37, %select_n3A_29 : vector<16xi1>, vector<16xf32>
      %jit3A_40 = arith.constant 3 : i32
      %broadcast_in_dim3A_41 = vector.broadcast %jit3A_40 : i32 to vector<16xi32>
      %select_n3A_42 = arith.select %gt3A_38, %broadcast_in_dim3A_41, %select_n3A_32 : vector<16xi1>, vector<16xi32>
      %get3A_43 = arith.constant 4 : i32
      %get3A_44 = arith.index_cast %get3A_43 : i32 to index
      %get3A_45 = arith.index_cast %mul3A_10 : i32 to index
      %get3A_46 = tpu.vector_load %arg5[%get3A_44, %get3A_45] {strides = array<i32>} : memref<8x2048xf32, #tpu.memory_space<vmem>>, vector<1x16xf32>,
      %get3A_47 = vector.shape_cast %get3A_46 : vector<1x16xf32> to vector<16xf32>
      %gt3A_48 = arith.cmpf ogt, %get3A_47, %select_n3A_39 : vector<16xf32>
      %select_n3A_49 = arith.select %gt3A_48, %get3A_47, %select_n3A_39 : vector<16xi1>, vector<16xf32>
      %jit3A_50 = arith.constant 4 : i32
      %broadcast_in_dim3A_51 = vector.broadcast %jit3A_50 : i32 to vector<16xi32>
      %select_n3A_52 = arith.select %gt3A_48, %broadcast_in_dim3A_51, %select_n3A_42 : vector<16xi1>, vector<16xi32>
      %get3A_53 = arith.constant 5 : i32
      %get3A_54 = arith.index_cast %get3A_53 : i32 to index
      %get3A_55 = arith.index_cast %mul3A_10 : i32 to index
      %get3A_56 = tpu.vector_load %arg5[%get3A_54, %get3A_55] {strides = array<i32>} : memref<8x2048xf32, #tpu.memory_space<vmem>>, vector<1x16xf32>,
      %get3A_57 = vector.shape_cast %get3A_56 : vector<1x16xf32> to vector<16xf32>
      %gt3A_58 = arith.cmpf ogt, %get3A_57, %select_n3A_49 : vector<16xf32>
      %select_n3A_59 = arith.select %gt3A_58, %get3A_57, %select_n3A_49 : vector<16xi1>, vector<16xf32>
      %jit3A_60 = arith.constant 5 : i32
      %broadcast_in_dim3A_61 = vector.broadcast %jit3A_60 : i32 to vector<16xi32>
      %select_n3A_62 = arith.select %gt3A_58, %broadcast_in_dim3A_61, %select_n3A_52 : vector<16xi1>, vector<16xi32>
      %get3A_63 = arith.constant 6 : i32
      %get3A_64 = arith.index_cast %get3A_63 : i32 to index
      %get3A_65 = arith.index_cast %mul3A_10 : i32 to index
      %get3A_66 = tpu.vector_load %arg5[%get3A_64, %get3A_65] {strides = array<i32>} : memref<8x2048xf32, #tpu.memory_space<vmem>>, vector<1x16xf32>,
      %get3A_67 = vector.shape_cast %get3A_66 : vector<1x16xf32> to vector<16xf32>
      %gt3A_68 = arith.cmpf ogt, %get3A_67, %select_n3A_59 : vector<16xf32>
      %select_n3A_69 = arith.select %gt3A_68, %get3A_67, %select_n3A_59 : vector<16xi1>, vector<16xf32>
      %jit3A_70 = arith.constant 6 : i32
      %broadcast_in_dim3A_71 = vector.broadcast %jit3A_70 : i32 to vector<16xi32>
      %select_n3A_72 = arith.select %gt3A_68, %broadcast_in_dim3A_71, %select_n3A_62 : vector<16xi1>, vector<16xi32>
      %get3A_73 = arith.constant 7 : i32
      %get3A_74 = arith.index_cast %get3A_73 : i32 to index
      %get3A_75 = arith.index_cast %mul3A_10 : i32 to index
      %get3A_76 = tpu.vector_load %arg5[%get3A_74, %get3A_75] {strides = array<i32>} : memref<8x2048xf32, #tpu.memory_space<vmem>>, vector<1x16xf32>,
      %get3A_77 = vector.shape_cast %get3A_76 : vector<1x16xf32> to vector<16xf32>
      %gt3A_78 = arith.cmpf ogt, %get3A_77, %select_n3A_69 : vector<16xf32>
      %select_n3A_79 = arith.select %gt3A_78, %get3A_77, %select_n3A_69 : vector<16xi1>, vector<16xf32>
      %jit3A_80 = arith.constant 7 : i32
      %broadcast_in_dim3A_81 = vector.broadcast %jit3A_80 : i32 to vector<16xi32>
      %select_n3A_82 = arith.select %gt3A_78, %broadcast_in_dim3A_81, %select_n3A_72 : vector<16xi1>, vector<16xi32>
      %swap3A = arith.index_cast %mul3A_10 : i32 to index
      %swap3A_83 = tpu.vector_load %arg6[%swap3A] {strides = array<i32>} : memref<2048xi32, #tpu.memory_space<vmem>>, vector<16xi32>,
      %swap3A_84 = vector.shape_cast %swap3A_83 : vector<16xi32> to vector<16xi32>
      %swap3A_85 = vector.shape_cast %select_n3A_82 : vector<16xi32> to vector<16xi32>
      tpu.vector_store %arg6[%swap3A], %swap3A_85 {strides = array<i32>} : memref<2048xi32, #tpu.memory_space<vmem>>, vector<16xi32>,
      %swap3A_86 = arith.index_cast %mul3A_10 : i32 to index
      %swap3A_87 = tpu.vector_load %arg7[%swap3A_86] {strides = array<i32>} : memref<2048xf32, #tpu.memory_space<vmem>>, vector<16xf32>,
      %swap3A_88 = vector.shape_cast %swap3A_87 : vector<16xf32> to vector<16xf32>
      %swap3A_89 = vector.shape_cast %select_n3A_79 : vector<16xf32> to vector<16xf32>
      tpu.vector_store %arg7[%swap3A_86], %swap3A_89 {strides = array<i32>} : memref<2048xf32, #tpu.memory_space<vmem>>, vector<16xf32>,
    }
    %scan3A_7 = arith.constant 128 : i32
    "tpu.region"() ({
      %run_scoped3A = tpu.sem_alloc : memref<!tpu.dma_semaphore, #tpu.memory_space<semaphore_mem>>
      %dma_start3A = tpu.memref_slice %arg3[%mul3A_2] : memref<32768xi32, #tpu.memory_space<hbm>> -> memref<2048xi32, #tpu.memory_space<hbm>>
      %dma_start3A_8 = tpu.memref_slice %arg3[%mul3A_2] : memref<32768xi32, #tpu.memory_space<hbm>> -> memref<2048xi32, #tpu.memory_space<hbm>>
      tpu.enqueue_dma source(%arg6 : memref<2048xi32, #tpu.memory_space<vmem>>) target(%dma_start3A_8 : memref<2048xi32, #tpu.memory_space<hbm>>) target_semaphore(%run_scoped3A : memref<!tpu.dma_semaphore, #tpu.memory_space<semaphore_mem>>)
      %dma_wait3A = tpu.memref_slice %arg3[%mul3A_2] : memref<32768xi32, #tpu.memory_space<hbm>> -> memref<2048xi32, #tpu.memory_space<hbm>>
      %dma_wait3A_9 = tpu.memref_slice %arg3[%mul3A_2] : memref<32768xi32, #tpu.memory_space<hbm>> -> memref<2048xi32, #tpu.memory_space<hbm>>
      tpu.wait_dma2 semaphore(%run_scoped3A : memref<!tpu.dma_semaphore, #tpu.memory_space<semaphore_mem>>) src(%arg6 : memref<2048xi32, #tpu.memory_space<vmem>>) dst(%dma_wait3A_9 : memref<2048xi32, #tpu.memory_space<hbm>>)
      tpu.yield
    }) : () -> ()
    "tpu.region"() ({
      %run_scoped3A = tpu.sem_alloc : memref<!tpu.dma_semaphore, #tpu.memory_space<semaphore_mem>>
      %dma_start3A = tpu.memref_slice %arg4[%mul3A_2] : memref<32768xf32, #tpu.memory_space<hbm>> -> memref<2048xf32, #tpu.memory_space<hbm>>
      %dma_start3A_8 = tpu.memref_slice %arg4[%mul3A_2] : memref<32768xf32, #tpu.memory_space<hbm>> -> memref<2048xf32, #tpu.memory_space<hbm>>
      tpu.enqueue_dma source(%arg7 : memref<2048xf32, #tpu.memory_space<vmem>>) target(%dma_start3A_8 : memref<2048xf32, #tpu.memory_space<hbm>>) target_semaphore(%run_scoped3A : memref<!tpu.dma_semaphore, #tpu.memory_space<semaphore_mem>>)
      %dma_wait3A = tpu.memref_slice %arg4[%mul3A_2] : memref<32768xf32, #tpu.memory_space<hbm>> -> memref<2048xf32, #tpu.memory_space<hbm>>
      %dma_wait3A_9 = tpu.memref_slice %arg4[%mul3A_2] : memref<32768xf32, #tpu.memory_space<hbm>> -> memref<2048xf32, #tpu.memory_space<hbm>>
      tpu.wait_dma2 semaphore(%run_scoped3A : memref<!tpu.dma_semaphore, #tpu.memory_space<semaphore_mem>>) src(%arg7 : memref<2048xf32, #tpu.memory_space<vmem>>) dst(%dma_wait3A_9 : memref<2048xf32, #tpu.memory_space<hbm>>)
      tpu.yield
    }) : () -> ()
    return
  }
}

module attributes {stable_mosaic.version = 14 : i64} {
  func.func @_logits_kernel(%arg0: i32, %arg1: memref<8x768xf32, #tpu.memory_space<vmem>>, %arg2: memref<4096x768xf32, #tpu.memory_space<vmem>>, %arg3: memref<2x8x2048xf32, #tpu.memory_space<vmem>>) attributes {dimension_semantics = [#tpu.dimension_semantics<arbitrary>], iteration_bounds = array<i64: 8>, scalar_prefetch = 0 : i64, scratch_operands = 0 : i64, tpu.core_type = #tpu.core_type<tc>, window_params = [{pipeline_mode = #tpu.pipeline_mode<synchronous>, transform_indices = @transform_0, window_bounds = array<i64: 8, 768>}, {transform_indices = @transform_1, window_bounds = array<i64: 4096, 768>}, {transform_indices = @transform_2, window_bounds = array<i64: 2, 8, 2048>}]} {
    %get3A = arith.constant 0 : index
    %get3A_0 = arith.constant 0 : index
    %get3A_1 = vector.load %arg1[%get3A, %get3A_0] : memref<8x768xf32, #tpu.memory_space<vmem>>, vector<8x768xf32>
    %get3A_2 = arith.constant 0 : index
    %get3A_3 = arith.constant 0 : index
    %get3A_4 = vector.load %arg2[%get3A_2, %get3A_3] : memref<4096x768xf32, #tpu.memory_space<vmem>>, vector<2048x768xf32>
    %dot_general3A = arith.constant dense<0.000000e+00> : vector<8x2048xf32>
    %dot_general3A_5 = tpu.matmul %get3A_1, %get3A_4, %dot_general3A {dimension_numbers = #tpu.dot_dimension_numbers<[1], [1], [0], [0], [0, 0, 1, 0], [], []>, transpose_lhs_hint = false} : vector<8x768xf32>, vector<2048x768xf32>, vector<8x2048xf32> -> vector<8x2048xf32>
    %swap3A = arith.constant 0 : index
    %swap3A_6 = arith.constant 0 : index
    %swap3A_7 = arith.constant 0 : index
    %swap3A_8 = vector.load %arg3[%swap3A, %swap3A_6, %swap3A_7] : memref<2x8x2048xf32, #tpu.memory_space<vmem>>, vector<1x8x2048xf32>
    %swap3A_9 = vector.shape_cast %swap3A_8 : vector<1x8x2048xf32> to vector<8x2048xf32>
    %swap3A_10 = vector.shape_cast %dot_general3A_5 : vector<8x2048xf32> to vector<1x8x2048xf32>
    tpu.vector_store %arg3[%swap3A, %swap3A_6, %swap3A_7], %swap3A_10 {strides = array<i32>} : memref<2x8x2048xf32, #tpu.memory_space<vmem>>, vector<1x8x2048xf32>,
    %get3A_11 = arith.constant 0 : index
    %get3A_12 = arith.constant 0 : index
    %get3A_13 = vector.load %arg1[%get3A_11, %get3A_12] : memref<8x768xf32, #tpu.memory_space<vmem>>, vector<8x768xf32>
    %get3A_14 = arith.constant 2048 : index
    %get3A_15 = arith.constant 0 : index
    %get3A_16 = vector.load %arg2[%get3A_14, %get3A_15] : memref<4096x768xf32, #tpu.memory_space<vmem>>, vector<2048x768xf32>
    %dot_general3A_17 = arith.constant dense<0.000000e+00> : vector<8x2048xf32>
    %dot_general3A_18 = tpu.matmul %get3A_13, %get3A_16, %dot_general3A_17 {dimension_numbers = #tpu.dot_dimension_numbers<[1], [1], [0], [0], [0, 0, 1, 0], [], []>, transpose_lhs_hint = false} : vector<8x768xf32>, vector<2048x768xf32>, vector<8x2048xf32> -> vector<8x2048xf32>
    %swap3A_19 = arith.constant 1 : index
    %swap3A_20 = arith.constant 0 : index
    %swap3A_21 = arith.constant 0 : index
    %swap3A_22 = vector.load %arg3[%swap3A_19, %swap3A_20, %swap3A_21] : memref<2x8x2048xf32, #tpu.memory_space<vmem>>, vector<1x8x2048xf32>
    %swap3A_23 = vector.shape_cast %swap3A_22 : vector<1x8x2048xf32> to vector<8x2048xf32>
    %swap3A_24 = vector.shape_cast %dot_general3A_18 : vector<8x2048xf32> to vector<1x8x2048xf32>
    tpu.vector_store %arg3[%swap3A_19, %swap3A_20, %swap3A_21], %swap3A_24 {strides = array<i32>} : memref<2x8x2048xf32, #tpu.memory_space<vmem>>, vector<1x8x2048xf32>,
    return
  }
  func.func @transform_0(%arg0: i32) -> (i32, i32) {
    %c0_i32 = arith.constant 0 : i32
    %c0_i32_0 = arith.constant 0 : i32
    %c0_i32_1 = arith.constant 0 : i32
    return %c0_i32, %c0_i32_0 : i32, i32
  }
  func.func @transform_1(%arg0: i32) -> (i32, i32) {
    %c0_i32 = arith.constant 0 : i32
    %c0_i32_0 = arith.constant 0 : i32
    return %arg0, %c0_i32 : i32, i32
  }
  func.func @transform_2(%arg0: i32) -> (i32, i32, i32) {
    %c0_i32 = arith.constant 0 : i32
    %c0_i32_0 = arith.constant 0 : i32
    %c0_i32_1 = arith.constant 0 : i32
    return %arg0, %c0_i32, %c0_i32_0 : i32, i32, i32
  }
}

</mosaic_0001>

<sc_bundles>
// kernel: kernel.4.cloned.1.call-start
scs
__scs_entry_jumppad:
0x0: {  	(pc) =	sbr.rel $0x88, $3  }
0x1: {  	(tag) =	ssettag $0x0;
	lr =	simm.s32 $0x1  }
0x2: {  	[smem:$0x3F9F] =	sst lr;
	_ =	strace $0xD0000000  }
0x3: {  	_ = 	snop  }
0x4: {  	_ = 	snop  }
0x5: {  	_ = 	snop  }
0x6: {  	_ = 	snop  }
0x7: {  	_ = 	snop  }
__scs_overlays_trampoline_lowered:
0x8: {  	[smem:$0x3FAE] =	sst s0  }
0x9: {  	[smem:$0x3FAF] =	sst s1  }
0xa: {  	[smem:$0x3FB0] =	sst s2  }
0xb: {  	[smem:$0x3FB1] =	sst s3  }
0xc: {  	[smem:$0x3FB2] =	sst s4  }
0xd: {  	[smem:$0x3FB3] =	sst s5  }
0xe: {  	[smem:$0x3FB4] =	sst s6  }
0xf: {  	[smem:$0x3FB5] =	sst s7  }
0x10: {  	[smem:$0x3FB6] =	sst s8  }
0x11: {  	[smem:$0x3FB7] =	sst s9;
	s0 =	simm.s32 @!p0 $0x0  }
0x12: {  	s1 =	sld [smem:$0x3F9D];
	s0 =	simm.s32 @p0 $0x1  }
0x13: {  	[smem:$0x3FB8] =	sst s0;
	s0 =	simm.s32 @!p1 $0x0  }
0x14: {  	s2 =	sld [smem:$0x3F9C];
	s0 =	simm.s32 @p1 $0x1  }
0x15: {  	[smem:$0x3FB9] =	sst s0;
	s0 =	simm.s32 @!p2 $0x0  }
0x16: {  	s3 =	sld [smem:$0x3FDB];
	s0 =	simm.s32 @p2 $0x1  }
0x17: {  	s4 =	simm.s32 $0x1BF5;
	[smem:$0x3FBB] =	sst s0  }
0x18: {  	s0 =	sld [smem:$0x3F9E];
	_ =	swait.ge [sflag:s4], $0x0  }
0x19: {  	s7 =	sld [smem:$0x3F9F]  }
0x1a: {  	s8 =	sadd.s32 $0xFFFFE003, lr  }
0x1b: {  	s9 =	sadd.s32 $0xFFFFFEF7, lr;
	s5 =	simm.s32 $0xFFFFFFFF;
	p2 =	slt.u32 s8, $0xFFFFF086  }
0x1c: {  	p1 =	slt.u32 s9, $0xF7A;
	s5 =	simm.s32 @!p2 $0x0  }
0x1d: {  	s5 =	simm.s32 @p1 $0x1;
	p0 =	seq.s32 s7, s2  }
0x1e: {  	s7 =	smul.u32 @!p0 $0xF7A, s2;
	p2 =	seq.s32 @!p0 s5, $0x0  }
0x1f: {  	s9 =	smul.u32 $0xF7A, s1;
	s8 =	simm.s32 @!p0 $0x1BF5;
	p2 =	por !p2, p0  }
0x20: {  	[sflag:s8] =	ssyncset.s32 @!p0 $0xFFFFF086;
	s6 =	sadd.s32 @!p0 s3, s7;
	s7 =	simm.s32 @!p0 $0x108  }
0x21: {  	s3 =	sadd.s32 s3, s9;
	s6 =	sadd.s32 @!p0 $0x88, s6;
	s7 =	simm.s32 @p2 $0x1082  }
0x22: {  	[simem:s7], [sflag:s8] =	dma.local @!p0 [hbm:s6], $0xF7A  }
0x23: {  	s9 =	sor.u32 $0xD0000000, s2;
	s6 =	simm.s32 $0x108;
	_ =	swait.ge @!p0 [sflag:s8], $0x0  }
0x24: {  	s3 =	sadd.s32 $0x88, s3;
	s6 =	simm.s32 @!p1 $0x1082;
	[sflag:s4] =	ssyncset.s32 $0xFFFFF086  }
0x25: {  	[simem:s6], [sflag:s4] =	dma.local [hbm:s3], $0xF7A  }
0x26: {  	[smem:$0x3F9F] =	sst s1;
	(tag) =	ssettag s2;
	_ =	strace s9  }
0x27: {  	s1 =	sld [smem:$0x3FAF]  }
0x28: {  	s2 =	sld [smem:$0x3FB0]  }
0x29: {  	s4 =	sld [smem:$0x3FB2]  }
0x2a: {  	p0 =	seq.s32 s5, $0x0;
	s5 =	sld [smem:$0x3FB3]  }
0x2b: {  	s6 =	sld [smem:$0x3FB4]  }
0x2c: {  	s7 =	sld [smem:$0x3FB5]  }
0x2d: {  	s3 =	simm.s32 $0x108;
	s8 =	sld [smem:$0x3FB6]  }
0x2e: {  	s3 =	simm.s32 @!p0 $0x1082;
	s9 =	sld [smem:$0x3FB7]  }
0x2f: {  	lr =	sadd.s32 s0, s3;
	s0 =	sld [smem:$0x3FAE]  }
0x30: {  	s3 =	sld [smem:$0x3FB1]  }
0x31: {  	[smem:$0x3FBA] =	sst s10  }
0x32: {  	s10 =	sld [smem:$0x3FB8];
	_ =	sdelay $0x3  }
0x33: {  	p0 =	seq.s32 s10, $0x1;
	s10 =	sld [smem:$0x3FBA];
	_ =	sdelay $0x3  }
0x34: {  	[smem:$0x3FBA] =	sst s10  }
0x35: {  	s10 =	sld [smem:$0x3FB9];
	_ =	sdelay $0x3  }
0x36: {  	p1 =	seq.s32 s10, $0x1;
	s10 =	sld [smem:$0x3FBA];
	_ =	sdelay $0x3  }
0x37: {  	[smem:$0x3FBA] =	sst s10  }
0x38: {  	s10 =	sld [smem:$0x3FBB]  }
0x39: {  	_ = 	snop;
	(pc) =	sbr.ind lr, $3  }
0x3a: {  	_ = 	snop  }
0x3b: {  	_ = 	snop  }
0x3c: {  	p2 =	seq.s32 s10, $0x1;
	s10 =	sld [smem:$0x3FBA]  }
0x3d: {  	_ =	shalt  }
0x3e: {  	_ =	shalt  }
0x3f: {  	_ =	shalt  }
0x40: {  	_ =	shalt  }
0x41: {  	_ =	shalt  }
0x42: {  	_ =	shalt  }
0x43: {  	_ =	shalt  }
0x44: {  	_ =	shalt  }
0x45: {  	_ =	shalt  }
0x46: {  	_ =	shalt  }
0x47: {  	_ =	shalt  }
0x48: {  	_ =	shalt  }
0x49: {  	_ =	shalt  }
0x4a: {  	_ =	shalt  }
0x4b: {  	_ =	shalt  }
0x4c: {  	_ =	shalt  }
0x4d: {  	_ =	shalt  }
0x4e: {  	_ =	shalt  }
0x4f: {  	_ =	shalt  }
0x50: {  	_ =	shalt  }
0x51: {  	_ =	shalt  }
0x52: {  	_ =	shalt  }
0x53: {  	_ =	shalt  }
0x54: {  	_ =	shalt  }
0x55: {  	_ =	shalt  }
0x56: {  	_ =	shalt  }
0x57: {  	_ =	shalt  }
0x58: {  	_ =	shalt  }
0x59: {  	_ =	shalt  }
0x5a: {  	_ =	shalt  }
0x5b: {  	_ =	shalt  }
0x5c: {  	_ =	shalt  }
0x5d: {  	_ =	shalt  }
0x5e: {  	_ =	shalt  }
0x5f: {  	_ =	shalt  }
0x60: {  	_ =	shalt  }
0x61: {  	_ =	shalt  }
0x62: {  	_ =	shalt  }
0x63: {  	_ =	shalt  }
0x64: {  	_ =	shalt  }
0x65: {  	_ =	shalt  }
0x66: {  	_ =	shalt  }
0x67: {  	_ =	shalt  }
0x68: {  	_ =	shalt  }
0x69: {  	_ =	shalt  }
0x6a: {  	_ =	shalt  }
0x6b: {  	_ =	shalt  }
0x6c: {  	_ =	shalt  }
0x6d: {  	_ =	shalt  }
0x6e: {  	_ =	shalt  }
0x6f: {  	_ =	shalt  }
0x70: {  	_ =	shalt  }
0x71: {  	_ =	shalt  }
0x72: {  	_ =	shalt  }
0x73: {  	_ =	shalt  }
0x74: {  	_ =	shalt  }
0x75: {  	_ =	shalt  }
0x76: {  	_ =	shalt  }
0x77: {  	_ =	shalt  }
0x78: {  	_ =	shalt  }
0x79: {  	_ =	shalt  }
0x7a: {  	_ =	shalt  }
0x7b: {  	_ =	shalt  }
0x7c: {  	_ =	shalt  }
0x7d: {  	_ =	shalt  }
0x7e: {  	_ =	shalt  }
0x7f: {  	_ =	shalt  }
0x80: {  	_ =	shalt  }
0x81: {  	_ =	shalt  }
0x82: {  	_ =	shalt  }
0x83: {  	_ =	shalt  }
0x84: {  	_ =	shalt  }
0x85: {  	_ =	shalt  }
0x86: {  	_ =	shalt  }
0x87: {  	_ =	shalt  }
.Lfunc_end0:
.L_simem_size_0:
called_computation_lowered:
.L_overlay_start_0:
0x88: {  	s0 =	sld [smem:$0x3FD9]  }
0x89: {  	s1 =	sld [smem:$0x3FFE];
	_ =	sdelay $0x3  }
0x8a: {  	s0 =	sadd.s32 s1, s0  }
0x8b: {  	[smem:$0x3FC6] =	sst s0  }
0x8c: {  	_ = 	snop  }
0x8d: {  	s0 =	sld [smem:$0x3FD0];
	_ =	sdelay $0x2  }
0x8e: {  	s14 =	simm.s32 $0xA;
	s2 =	simm.s32 $0x10  }
0x8f: {  	[smem:s2], [sflag:s14] =	dma.local [hbm:s0], $0x1  }
0x90: {  	_ =	swait.eq [sflag:s14], $0x1  }
0x91: {  	s15 =	sld [smem:$0x10];
	[sflag:s14] =	ssyncset.done $0x0  }
0x92: {  	s16 =	sld [smem:$0x11];
	[sflag:s14] =	ssyncadd.s32 $0xFFFFFFFF  }
0x93: {  	s17 =	sld [smem:$0x12];
	(tm) =	ssettm $0x1  }
0x94: {  	s3 =	sld [smem:$0x3FFB];
	_ =	sdelay $0x3  }
0x95: {  	_ =	strace s3  }
0x96: {  	s3 =	sld [smem:$0x3FFC];
	_ =	sdelay $0x3  }
0x97: {  	_ =	strace s3  }
0x98: {  	s3 =	sld [smem:$0x3FFD];
	_ =	sdelay $0x3  }
0x99: {  	_ =	strace s3  }
0x9a: {  	_ =	strace $0x8FFFFFFF  }
0x9b: {  	s18 =	sld [smem:$0x3FDB];
	_ =	sdelay $0x1  }
0x9c: {  	s4 =	simm.s32 $_scs_section_size  }
0x9d: {  	s5 =	simm.s32 $_size__tile_overlayer_lowered;
	s6 =	simm.s32 $_tile_overlayer_lowered  }
0x9e: {  	s21 =	simm.s32 $0x1BFF;
	s20 =	sshll.u32 s6, $0x1;
	s3 =	sadd.s32 s4, s18  }
0x9f: {  	s7 =	simm.s32 $0x0;
	s19 =	sshll.u32 s5, $0x1;
	s5 =	sadd.s32 s20, s3  }
0xa0: {  	[timem:s7], [sflag:s21] =	dma.local [hbm:s5], s19  }
0xa1: {  	_ =	swait.ge [sflag:s21], s19  }
0xa2: {  	s4 =	ssub.s32 $0x0, s19;
	[sflag:s21] =	ssyncset.done $0x0  }
0xa3: {  	[sflag:s21] =	ssyncadd.s32 s4;
	_ =	sdelay $0x1  }
0xa4: {  	s22 =	simm.s32 $0x1B8B  }
0xa5: {  	_ =	swait.ge [sflag:s22], $0x1  }
0xa6: {  	[sflag:s22] =	ssyncset.done $0x0  }
0xa7: {  	s23 =	simm.s32 $0x1B8E;
	[sflag:s22] =	ssyncadd.s32 $0xFFFFFFFF  }
0xa8: {  	s24 =	simm.s32 $execute0_lowered;
	[smem:$0x3FD2] =	sst s23  }
0xa9: {  	s4 =	sshll.u32 s24, $0x1;
	_ =	strace $0x80000046;
	[dreg:$0x1] =	wrdreg $0xFFFFFFFF  }
0xaa: {  	s25 =	simm.s32 $_size_execute0_lowered;
	s3 =	sadd.s32 s3, s4;
	[dreg:$0x0] =	wrdreg $0x0  }
0xab: {  	s4 =	sshll.u32 s25, $0x1;
	[dreg:$0x2] =	wrdreg s3  }
0xac: {  	[dreg:$0x3] =	wrdreg s4  }
0xad: {  	[dreg:$0x4] =	wrdreg $0xC0  }
0xae: {  	_ =	task [dreg:s7], $0x5FFFF  }
0xaf: {  	[dreg:$0x1] =	wrdreg $0xFFFFFFFF  }
0xb0: {  	[dreg:$0x0] =	wrdreg $0x60  }
0xb1: {  	[dreg:$0x2] =	wrdreg s17  }
0xb2: {  	[dreg:$0x3] =	wrdreg s15  }
0xb3: {  	[dreg:$0x4] =	wrdreg s16  }
0xb4: {  	[dreg:$0x5] =	wrdreg $0x9  }
0xb5: {  	_ =	task.clear_ibuf [dreg:s7], $0x6FFFF;
	_ =	strace $0x90000046  }
0xb6: {  	s26 =	simm.s32 $0x9;
	_ =	strace $0x80000048  }
0xb7: {  	_ =	swait.ge [sflag:s26], $0x1  }
0xb8: {  	[sflag:s26] =	ssyncadd.s32 $0xFFFFFFFF  }
0xb9: {  	_ =	strace $0x90000048  }
0xba: {  	_ =	sfence  }
0xbb: {  	s28 =	sld [smem:$0x0];
	_ =	sdelay $0x1  }
0xbc: {  	s29 =	srdreg.scid  }
0xbd: {  	s30 =	sshll.u32 s29, $0xD;
	s31 =	sshrl.u32 s29, $0x2  }
0xbe: {  	s1 =	sand.u32 $0x1, s29;
	s2 =	sand.u32 $0x4000, s30;
	s0 =	sadd.s32 s31, s28  }
0xbf: {  	s1 =	sor.u32 s2, s1;
	s0 =	sshll.u32 s0, $0x11  }
0xc0: {  	s0 =	sor.u32 s0, s1  }
0xc1: {  	s0 =	sadd.s32 $0x8F2B, s0  }
0xc2: {  	[sflag:s0] =	ssyncadd.remote.s32 $0x1  }
0xc3: {  	_ =	sfence.sel $0xFFFF  }
0xc4: {  	[dreg:$0x0] =	wrdreg $0xFFFFFFFF;
	(pc) =	sbr.abs _section_cstart, $3  }
0xc5: {  	[dreg:$0x1] =	wrdreg $0xFFFFFFFF  }
0xc6: {  	_ =	task.clear_ibuf [dreg:s7], $0x2FFFF;
	_ =	strace $0x9FFFFFFF  }
0xc7: {  	(tm) =	ssettm $0x7FFFFFFF  }
tec
execute0_lowered:
.L_overlay_start_1:
0x0: {  	(tag) =	ssettag $0x1  }
0x1: {  	s4 =	rddreg [dreg:$0x0]  }
0x2: {  	s3 =	rddreg [dreg:$0x1]  }
0x3: {  	s2 =	rddreg [dreg:$0x2]  }
0x4: {  	s0 =	rddreg [dreg:$0x3];
	s5 =	simm.s32 $0x0;
	s1 =	stileid.u32  }
0x5: {  	[smem:$0x7FF] =	sst s5;
	s6 =	sshll.u32 s1, $0xB  }
0x6: {  	s29 =	simm.s32 $0x1;
	_ =	strace $0x80000047;
	s4 =	sadd.s32 s4, s6  }
0x7: {  	[tilespmem:s5], [sflag:$0x1] =	stream.linear.gather [hbm4b:s4+s5], $0x4000, $0x38;
	[tilespmem:$0x5000] =	vst v63  }
0x8: {  	_ =	swait.ge [sflag:s29], $0x4000  }
0x9: {  	s30 =	sand.u32 $0x70, s5;
	s5 =	sand.u32 $0x3C00, s5;
	[sflag:s29] =	ssyncset.done $0x0  }
0xa: {  	s31 =	sor.u32 s30, s5;
	[sflag:s29] =	ssyncadd.s32 $0xFFFFC000  }
0xb: {  	v0 =	vld [tilespmem:s31+$0x80]  }
0xc: {  	v1 =	vld [tilespmem:s31+$0x0];
	_ =	sdelay $0x1  }
0xd: {  	v2 =	vld [tilespmem:s31+$0x100];
	_ =	sdelay $0x1  }
0xe: {  	v3 =	vld [tilespmem:s31+$0x180]  }
0xf: {  	vm0 =	vgt.f32 v0, v1  }
0x10: {  	v0 =	vsel vm0, v0, v1;
	v1 =	vld [tilespmem:s31+$0x200]  }
0x11: {  	vm1 =	vgt.f32 v2, v0  }
0x12: {  	v0 =	vsel vm1, v2, v0;
	v2 =	vld [tilespmem:s31+$0x280]  }
0x13: {  	vm2 =	vgt.f32 v3, v0  }
0x14: {  	v4 =	vld [tilespmem:s31+$0x300];
	v3 =	vsel vm2, v3, v0  }
0x15: {  	v0 =	vimm.s32 $0x0;
	vm3 =	vgt.f32 v1, v3  }
0x16: {  	v5 =	vsel vm0, $0x1, v0;
	v1 =	vsel vm3, v1, v3;
	v3 =	vld [tilespmem:s31+$0x380]  }
0x17: {  	v5 =	vsel vm1, $0x2, v5;
	vm13 =	vgt.f32 v2, v1  }
0x18: {  	v5 =	vsel vm2, $0x3, v5;
	v1 =	vsel vm13, v2, v1  }
0x19: {  	v2 =	vsel vm3, $0x4, v5;
	vm14 =	vgt.f32 v4, v1  }
0x1a: {  	v2 =	vsel vm13, $0x5, v2;
	v1 =	vsel vm14, v4, v1  }
0x1b: {  	v2 =	vsel vm14, $0x6, v2;
	vm15 =	vgt.f32 v3, v1  }
0x1c: {  	s7 =	simm.s32 $0x10;
	s6 =	simm.s32 $0x80;
	s4 =	simm.s32 $0x4000;
	v2 =	vsel vm15, $0x7, v2  }
0x1d: {  	s7 =	sand.u32 $0x70, s7;
	s8 =	sand.u32 $0x3C00, s6;
	s5 =	simm.s32 $0x4800;
	v1 =	vsel vm15, v3, v1;
	[tilespmem:s4+$0x0] =	vst v2  }
0x1e: {  	s8 =	sor.u32 s7, s8;
	[tilespmem:s5+$0x0] =	vst v1  }
0x1f: {  	s7 =	simm.s32 $0x20;
	v1 =	vld [tilespmem:s8+$0x80]  }
.LBB2_1:
0x20: {  	p0 =	sne.s32 s7, $0x7F0;
	v2 =	vld [tilespmem:s8+$0x0];
	_ =	sdelay $0x1  }
0x21: {  	v3 =	vld [tilespmem:s8+$0x100];
	_ =	sdelay $0x1  }
0x22: {  	v4 =	vld [tilespmem:s8+$0x180]  }
0x23: {  	vm0 =	vgt.f32 v1, v2  }
0x24: {  	v1 =	vsel vm0, v1, v2;
	v2 =	vld [tilespmem:s8+$0x200]  }
0x25: {  	vm1 =	vgt.f32 v3, v1  }
0x26: {  	v1 =	vsel vm1, v3, v1;
	v3 =	vld [tilespmem:s8+$0x280]  }
0x27: {  	vm2 =	vgt.f32 v4, v1  }
0x28: {  	v1 =	vsel vm2, v4, v1;
	v4 =	vld [tilespmem:s8+$0x300]  }
0x29: {  	vm3 =	vgt.f32 v2, v1  }
0x2a: {  	v5 =	vsel vm0, $0x1, v0;
	v1 =	vsel vm3, v2, v1;
	v2 =	vld [tilespmem:s8+$0x380]  }
0x2b: {  	v5 =	vsel vm1, $0x2, v5;
	vm0 =	vgt.f32 v3, v1  }
0x2c: {  	v5 =	vsel vm2, $0x3, v5;
	v1 =	vsel vm0, v3, v1  }
0x2d: {  	v3 =	vsel vm3, $0x4, v5;
	vm1 =	vgt.f32 v4, v1  }
0x2e: {  	v3 =	vsel vm0, $0x5, v3;
	v1 =	vsel vm1, v4, v1  }
.Ltmp0:
0x2f: {  	v3 =	vsel vm1, $0x6, v3;
	vm0 =	vgt.f32 v2, v1;
	(pc) =	sbr.rel @p0 .LBB2_1-.Ltmp0, $4  }
0x30: {  	s6 =	sadd.s32 $0x80, s6;
	s4 =	sadd.s32 $0x10, s4;
	v1 =	vsel vm0, v2, v1;
	v2 =	vsel vm0, $0x7, v3  }
0x31: {  	s5 =	sadd.s32 $0x10, s5;
	s9 =	sand.u32 $0x3C00, s6;
	s8 =	sand.u32 $0x70, s7;
	[tilespmem:s4+$0x0] =	vst v2  }
0x32: {  	s8 =	sor.u32 s8, s9;
	[tilespmem:s5+$0x0] =	vst v1  }
0x33: {  	s7 =	sadd.s32 $0x10, s7;
	v1 =	vld [tilespmem:s8+$0x80]  }
0x34: {  	v2 =	vld [tilespmem:s8+$0x0];
	_ =	sdelay $0x1  }
0x35: {  	v3 =	vld [tilespmem:s8+$0x100];
	_ =	sdelay $0x1  }
0x36: {  	v4 =	vld [tilespmem:s8+$0x180]  }
0x37: {  	vm0 =	vgt.f32 v1, v2  }
0x38: {  	v60 =	vld [tilespmem:s8+$0x200];
	v1 =	vsel vm0, v1, v2  }
0x39: {  	vm1 =	vgt.f32 v3, v1  }
0x3a: {  	v61 =	vld [tilespmem:s8+$0x280];
	v1 =	vsel vm1, v3, v1  }
0x3b: {  	vm2 =	vgt.f32 v4, v1  }
0x3c: {  	v62 =	vld [tilespmem:s8+$0x300];
	v1 =	vsel vm2, v4, v1  }
0x3d: {  	vm3 =	vgt.f32 v60, v1  }
0x3e: {  	v63 =	vld [tilespmem:s8+$0x380];
	v0 =	vsel vm0, $0x1, v0;
	v1 =	vsel vm3, v60, v1  }
0x3f: {  	v0 =	vsel vm1, $0x2, v0;
	vm13 =	vgt.f32 v61, v1  }
0x40: {  	v0 =	vsel vm2, $0x3, v0;
	v1 =	vsel vm13, v61, v1  }
0x41: {  	v0 =	vsel vm3, $0x4, v0;
	vm14 =	vgt.f32 v62, v1  }
0x42: {  	v0 =	vsel vm13, $0x5, v0;
	v1 =	vsel vm14, v62, v1  }
0x43: {  	v0 =	vsel vm14, $0x6, v0;
	vm15 =	vgt.f32 v63, v1  }
0x44: {  	s4 =	sadd.s32 $0x10, s4;
	v0 =	vsel vm15, $0x7, v0  }
0x45: {  	s26 =	sadd.s32 $0x10, s5;
	s28 =	sshll.u32 s1, $0x8;
	s29 =	simm.s32 $0x0;
	v1 =	vsel vm15, v63, v1;
	[tilespmem:s4+$0x0] =	vst v0  }
0x46: {  	s6 =	simm.s32 $0x4000;
	s30 =	simm.s32 $0x1;
	s3 =	sadd.s32 s3, s28;
	[tilespmem:s26+$0x0] =	vst v1  }
0x47: {  	[hbm4b:s3+s29] =	stream.linear.scatter [tilespmem:s6], [sflag:$0x1], $0x800, $0x38;
	[tilespmem:$0x5000] =	vst v63  }
0x48: {  	_ =	swait.ge [sflag:s30], $0x800  }
0x49: {  	[sflag:s30] =	ssyncset.done $0x0  }
0x4a: {  	s31 =	simm.s32 $0x4800;
	s2 =	sadd.s32 s2, s28;
	[sflag:s30] =	ssyncadd.s32 $0xFFFFF800  }
0x4b: {  	[hbm4b:s2+s29] =	stream.linear.scatter [tilespmem:s31], [sflag:$0x1], $0x800, $0x38;
	[tilespmem:$0x5000] =	vst v63  }
0x4c: {  	_ =	swait.ge [sflag:s30], $0x800  }
0x4d: {  	[sflag:s30] =	ssyncset.done $0x0  }
0x4e: {  	[sflag:s30] =	ssyncadd.s32 $0xFFFFF800  }
0x4f: {  	_ =	sfence.sel $0x180000  }
0x50: {  	[bflag:$0x0] =	sbarrier.arrive $0xFFFF  }
0x51: {  	p0 =	sne.s32 s1, $0x0;
	_ =	strace $0x90000047  }
0x52: {  	s0 =	sadd.s32 @!p0 $0x100000, s0;
	[bflag:$0x2] =	sbarrier.arrive $0xFFFF  }
0x53: {  	[sflag:s0] =	ssyncadd.tile.s32 @!p0 $0x1;
	_ =	shalt  }
.Lfunc_end2:
_tile_overlayer_lowered:
.L_overlay_start_2:
0x54: {  	(tag) =	ssettag $0x2  }
0x55: {  	s0 =	rddreg [dreg:$0x0];
	s2 =	stileid.u32  }
0x56: {  	s1 =	rddreg [dreg:$0x1];
	p0 =	sne.s32 s2, $0x0  }
0x57: {  	s3 =	rddreg [dreg:$0x2];
	[bflag:$0x3] =	sbarrier.arrive $0xFFFF;
	s2 =	simm.s32 @!p0 $0x1C01  }
0x58: {  	[timem:s3], [sflag:s2] =	dma.local @!p0 [hbm:s0], s1  }
0x59: {  	s0 =	simm.s32 @!p0 $0x1  }
0x5a: {  	_ =	swait.ge @!p0 [sflag:s0], s1  }
0x5b: {  	s1 =	ssub.s32 @!p0 $0x0, s1;
	[sflag:s0] =	ssyncset.done @!p0 $0x0  }
0x5c: {  	[sflag:s0] =	ssyncadd.s32 @!p0 s1  }
0x5d: {  	[bflag:$0x3] =	sbarrier.arrive $0xFFFF  }
0x5e: {  	_ =	shalt  }

</sc_bundles>
